<compile_context>
chip_gen: v7x
topology: tpu7x:2x2x1
jax: 0.10.2.dev20260603
libtpu: 0.0.44.dev20260713+nightly
codegen_flags: <defaults>
</compile_context>

<pallas_src>
import jax
import jax.numpy as jnp
from jax import lax
from jax.experimental import pallas as pl
from jax.experimental.pallas import tpu as pltpu
from jax.experimental.pallas import tpu_sc as plsc

B = 16
H = 512
W = 512
N_KP = 2048
LANES = 16
BAND = 128
OWN = 256
N_WORKERS = 32


def _sc_body(dens_hbm, kx_hbm, ky_hbm, tg_hbm, out_hbm,
             kx_v, ky_v, tg_v, band_a, acc_v, sem, sem_a):
    dens2 = dens_hbm
    c = lax.axis_index("c")
    s = lax.axis_index("s")
    wid = s * 2 + c
    img = s
    ybase = c * OWN

    cp_b0 = pltpu.async_copy(dens2.at[pl.ds(img * H + ybase, BAND)],
                             band_a, sem_a)
    cp_kx = pltpu.async_copy(kx_hbm.at[img], kx_v, sem)
    cp_ky = pltpu.async_copy(ky_hbm.at[img], ky_v, sem)
    cp_tg = pltpu.async_copy(tg_hbm.at[img], tg_v, sem)
    cp_kx.wait()
    cp_ky.wait()
    cp_tg.wait()

    def _max_step(j, carry):
        mx, my = carry
        xv = kx_v[pl.ds(j * LANES, LANES)]
        yv = ky_v[pl.ds(j * LANES, LANES)]
        return jnp.maximum(mx, xv), jnp.maximum(my, yv)

    mx0 = kx_v[pl.ds(0, LANES)]
    my0 = ky_v[pl.ds(0, LANES)]
    mx, my = lax.fori_loop(1, N_KP // LANES, _max_step, (mx0, my0))
    max_x = jnp.max(mx)
    max_y = jnp.max(my)

    def _scale(mval, dim):
        mvec = lax.broadcast(mval, (LANES,))
        sc = jnp.full((LANES,), jnp.float32(dim)) / mvec
        return jnp.where(mvec > 0, sc, jnp.full((LANES,), jnp.float32(1.0)))

    scale_w = _scale(max_x, W)
    scale_h = _scale(max_y, H)

    acc = jnp.zeros((LANES,), jnp.float32)
    for p in range(2):
        y0 = ybase + p * BAND
        rows = BAND
        band = band_a
        if p == 0:
            cp_b0.wait()
        else:
            pltpu.async_copy(dens2.at[pl.ds(img * H + y0, BAND)], band_a,
                             sem_a).wait()

        def _pass_step(j, acc, y0=y0, rows=rows, band=band):
            xv = kx_v[pl.ds(j * LANES, LANES)]
            yv = ky_v[pl.ds(j * LANES, LANES)]
            tv = tg_v[pl.ds(j * LANES, LANES)]
            ix = jnp.clip((xv * scale_w).astype(jnp.int32), 0, W - 1)
            iy = jnp.clip((yv * scale_h).astype(jnp.int32), 0, H - 1)
            t = iy - y0
            m = (t >= 0) & (t < rows)
            pv = plsc.load_gather(band, [t, ix], mask=m)
            d = jnp.where(m, pv - tv, jnp.float32(0.0))
            return acc + d * d

        acc = lax.fori_loop(0, N_KP // LANES, _pass_step, acc)

    acc_v[...] = acc
    pltpu.async_copy(acc_v, out_hbm.at[wid], sem).wait()


def _tc_finalize_body(part_ref, rgb_ref, th_ref, tot_ref, den_ref, dom_ref):
    alpha = jnp.float32(0.1)
    density_loss = jnp.sum(part_ref[...]) / jnp.float32(B * N_KP)
    lp_rgb = jax.nn.log_softmax(rgb_ref[...], axis=-1)
    lp_th = jax.nn.log_softmax(th_ref[...], axis=-1)
    ce_rgb = -jnp.mean(lp_rgb[:, 0])
    ce_th = -jnp.mean(lp_th[:, 1])
    domain_loss = (ce_rgb + ce_th) * jnp.float32(0.5)
    tot_ref[0] = density_loss + alpha * domain_loss
    den_ref[0] = density_loss
    dom_ref[0] = domain_loss


def kernel(density_map, keypoints_list, targets_list,
           domain_pred_rgb, domain_pred_thermal):
    kx = keypoints_list[:, :, 0]
    ky = keypoints_list[:, :, 1]

    mesh = plsc.VectorSubcoreMesh(core_axis_name="c", subcore_axis_name="s")
    sc_kernel = pl.kernel(
        _sc_body,
        out_type=jax.ShapeDtypeStruct((N_WORKERS, LANES), jnp.float32),
        mesh=mesh,
        scratch_types=[
            pltpu.VMEM((N_KP,), jnp.float32),
            pltpu.VMEM((N_KP,), jnp.float32),
            pltpu.VMEM((N_KP,), jnp.float32),
            pltpu.VMEM((BAND, W), jnp.float32),
            pltpu.VMEM((LANES,), jnp.float32),
            pltpu.SemaphoreType.DMA,
            pltpu.SemaphoreType.DMA,
        ],
        compiler_params=pltpu.CompilerParams(needs_layout_passes=False),
    )
    partials = sc_kernel(density_map.reshape(B * H, W), kx, ky, targets_list)

    tot, den, dom = pl.pallas_call(
        _tc_finalize_body,
        out_shape=[jax.ShapeDtypeStruct((1,), jnp.float32)] * 3,
        out_specs=[pl.BlockSpec(memory_space=pltpu.SMEM)] * 3,
    )(partials, domain_pred_rgb, domain_pred_thermal)

    return (tot.reshape(()), den.reshape(()), dom.reshape(()))

# --- scband reference (transcript-rebuilt; emitter-appended) ---
"""Pipeline reference for scband-saaibroker-loss-64656437674523 (READ-ONLY COPY).

The authoritative reference and input builder live on the scoring server;
editing this copy changes nothing except your own understanding.
"""

import jax, jax.numpy as jnp
import numpy as np


def setup_inputs(seed: int = 0) -> dict:
    key = jax.random.key(seed)
    k1, k2, k3, k4, k5 = jax.random.split(key, 5)
    density_map = jax.random.normal(k1, (16, 1, 512, 512), dtype=jnp.float32)
    keypoints_list = jax.random.uniform(k2, (16, 2048, 2), dtype=jnp.float32)
    targets_list = jax.random.uniform(k3, (16, 2048), dtype=jnp.float32)
    domain_pred_rgb = jax.random.normal(k4, (16, 2), dtype=jnp.float32)
    domain_pred_thermal = jax.random.normal(k5, (16, 2), dtype=jnp.float32)
    return {
        'density_map': density_map,
        'keypoints_list': keypoints_list,
        'targets_list': targets_list,
        'domain_pred_rgb': domain_pred_rgb,
        'domain_pred_thermal': domain_pred_thermal,
    }


def _ce(logits, labels):
    logp = jax.nn.log_softmax(logits, axis=-1)
    picked = jnp.take_along_axis(logp, labels[:, None], axis=1)[:, 0]
    return -jnp.mean(picked)


def reference(density_map, keypoints_list, targets_list, domain_pred_rgb, domain_pred_thermal):
    alpha = 0.1
    B = density_map.shape[0]
    H = density_map.shape[2]
    W = density_map.shape[3]
    density_loss = jnp.asarray(0.0, dtype=jnp.float32)
    for i in range(B):
        kp = keypoints_list[i]
        tg = targets_list[i]
        max_y = jnp.max(kp[:, 1])
        max_x = jnp.max(kp[:, 0])
        scale_h = jnp.where(max_y > 0, H / max_y, 1.0)
        scale_w = jnp.where(max_x > 0, W / max_x, 1.0)
        x_coords = jnp.clip((kp[:, 0] * scale_w).astype(jnp.int32), 0, W - 1)
        y_coords = jnp.clip((kp[:, 1] * scale_h).astype(jnp.int32), 0, H - 1)
        predicted = density_map[i, 0, y_coords, x_coords]
        density_loss = density_loss + jnp.mean((predicted - tg) ** 2)
    density_loss = density_loss / B
    rgb_labels = jnp.zeros((B,), dtype=jnp.int32)
    thermal_labels = jnp.ones((B,), dtype=jnp.int32)
    domain_loss = (_ce(domain_pred_rgb, rgb_labels) + _ce(domain_pred_thermal, thermal_labels)) / 2.0
    total_loss = density_loss + alpha * domain_loss
    return (total_loss, density_loss, domain_loss)

if __name__ == "__main__":
    import jax
    _d = setup_inputs()
    print(jax.jit(kernel)(*tuple(_d.values())))

</pallas_src>

<mosaic_0001>
#map = affine_map<(d0, d1) -> (0, 0)>
module attributes {stable_mosaic.version = 14 : i64} {
  func.func @_sc_body(%arg0: i32, %arg1: i32, %arg2: memref<8192x512xf32, #tpu.memory_space<hbm>>, %arg3: memref<16x2048xf32, #tpu.memory_space<hbm>>, %arg4: memref<16x2048xf32, #tpu.memory_space<hbm>>, %arg5: memref<16x2048xf32, #tpu.memory_space<hbm>>, %arg6: memref<32x16xf32, #tpu.memory_space<hbm>>, %arg7: memref<2048xf32, #tpu.memory_space<vmem>>, %arg8: memref<2048xf32, #tpu.memory_space<vmem>>, %arg9: memref<2048xf32, #tpu.memory_space<vmem>>, %arg10: memref<128x512xf32, #tpu.memory_space<vmem>>, %arg11: memref<16xf32, #tpu.memory_space<vmem>>, %arg12: memref<!tpu.dma_semaphore, #tpu.memory_space<semaphore_mem>>, %arg13: memref<!tpu.dma_semaphore, #tpu.memory_space<semaphore_mem>>) attributes {dimension_semantics = [#tpu.dimension_semantics<core_parallel>, #tpu.dimension_semantics<subcore_parallel>], iteration_bounds = array<i64: 2, 16>, scalar_prefetch = 0 : i64, scratch_operands = 7 : i64, tpu.core_type = #tpu.core_type<sc_vector_subcore>, window_params = [{transform_indices = #map}, {transform_indices = #map}, {transform_indices = #map}, {transform_indices = #map}, {transform_indices = #map}]} {
    %mul3A = arith.constant 2 : i32
    %mul3A_0 = arith.muli %arg1, %mul3A : i32
    %add3A = arith.addi %mul3A_0, %arg0 : i32
    %mul3A_1 = arith.constant 256 : i32
    %mul3A_2 = arith.muli %arg0, %mul3A_1 : i32
    %mul3A_3 = arith.constant 512 : i32
    %mul3A_4 = arith.muli %arg1, %mul3A_3 : i32
    %add3A_5 = arith.addi %mul3A_4, %mul3A_2 : i32
    %dma_start3A = arith.constant 0 : i32
    %dma_start3A_6 = tpu.memref_slice %arg2[%add3A_5, %dma_start3A] : memref<8192x512xf32, #tpu.memory_space<hbm>> -> memref<128x512xf32, #tpu.memory_space<hbm>>
    %dma_start3A_7 = arith.constant 0 : i32
    %dma_start3A_8 = tpu.memref_slice %arg2[%add3A_5, %dma_start3A_7] : memref<8192x512xf32, #tpu.memory_space<hbm>> -> memref<128x512xf32, #tpu.memory_space<hbm>>
    tpu.enqueue_dma source(%dma_start3A_8 : memref<128x512xf32, #tpu.memory_space<hbm>>) target(%arg10 : memref<128x512xf32, #tpu.memory_space<vmem>>) target_semaphore(%arg13 : memref<!tpu.dma_semaphore, #tpu.memory_space<semaphore_mem>>)
    %dma_start3A_9 = arith.constant 0 : i32
    %dma_start3A_10 = tpu.memref_slice %arg3[%arg1, %dma_start3A_9] : memref<16x2048xf32, #tpu.memory_space<hbm>> -> memref<1x2048xf32, #tpu.memory_space<hbm>>
    %dma_start3A_11 = tpu.memref_squeeze %dma_start3A_10 : memref<1x2048xf32, #tpu.memory_space<hbm>> -> memref<2048xf32, #tpu.memory_space<hbm>>
    %dma_start3A_12 = arith.constant 0 : i32
    %dma_start3A_13 = tpu.memref_slice %arg3[%arg1, %dma_start3A_12] : memref<16x2048xf32, #tpu.memory_space<hbm>> -> memref<1x2048xf32, #tpu.memory_space<hbm>>
    %dma_start3A_14 = tpu.memref_squeeze %dma_start3A_13 : memref<1x2048xf32, #tpu.memory_space<hbm>> -> memref<2048xf32, #tpu.memory_space<hbm>>
    tpu.enqueue_dma source(%dma_start3A_14 : memref<2048xf32, #tpu.memory_space<hbm>>) target(%arg7 : memref<2048xf32, #tpu.memory_space<vmem>>) target_semaphore(%arg12 : memref<!tpu.dma_semaphore, #tpu.memory_space<semaphore_mem>>)
    %dma_start3A_15 = arith.constant 0 : i32
    %dma_start3A_16 = tpu.memref_slice %arg4[%arg1, %dma_start3A_15] : memref<16x2048xf32, #tpu.memory_space<hbm>> -> memref<1x2048xf32, #tpu.memory_space<hbm>>
    %dma_start3A_17 = tpu.memref_squeeze %dma_start3A_16 : memref<1x2048xf32, #tpu.memory_space<hbm>> -> memref<2048xf32, #tpu.memory_space<hbm>>
    %dma_start3A_18 = arith.constant 0 : i32
    %dma_start3A_19 = tpu.memref_slice %arg4[%arg1, %dma_start3A_18] : memref<16x2048xf32, #tpu.memory_space<hbm>> -> memref<1x2048xf32, #tpu.memory_space<hbm>>
    %dma_start3A_20 = tpu.memref_squeeze %dma_start3A_19 : memref<1x2048xf32, #tpu.memory_space<hbm>> -> memref<2048xf32, #tpu.memory_space<hbm>>
    tpu.enqueue_dma source(%dma_start3A_20 : memref<2048xf32, #tpu.memory_space<hbm>>) target(%arg8 : memref<2048xf32, #tpu.memory_space<vmem>>) target_semaphore(%arg12 : memref<!tpu.dma_semaphore, #tpu.memory_space<semaphore_mem>>)
    %dma_start3A_21 = arith.constant 0 : i32
    %dma_start3A_22 = tpu.memref_slice %arg5[%arg1, %dma_start3A_21] : memref<16x2048xf32, #tpu.memory_space<hbm>> -> memref<1x2048xf32, #tpu.memory_space<hbm>>
    %dma_start3A_23 = tpu.memref_squeeze %dma_start3A_22 : memref<1x2048xf32, #tpu.memory_space<hbm>> -> memref<2048xf32, #tpu.memory_space<hbm>>
    %dma_start3A_24 = arith.constant 0 : i32
    %dma_start3A_25 = tpu.memref_slice %arg5[%arg1, %dma_start3A_24] : memref<16x2048xf32, #tpu.memory_space<hbm>> -> memref<1x2048xf32, #tpu.memory_space<hbm>>
    %dma_start3A_26 = tpu.memref_squeeze %dma_start3A_25 : memref<1x2048xf32, #tpu.memory_space<hbm>> -> memref<2048xf32, #tpu.memory_space<hbm>>
    tpu.enqueue_dma source(%dma_start3A_26 : memref<2048xf32, #tpu.memory_space<hbm>>) target(%arg9 : memref<2048xf32, #tpu.memory_space<vmem>>) target_semaphore(%arg12 : memref<!tpu.dma_semaphore, #tpu.memory_space<semaphore_mem>>)
    %dma_wait3A = arith.constant 0 : i32
    %dma_wait3A_27 = tpu.memref_slice %arg3[%arg1, %dma_wait3A] : memref<16x2048xf32, #tpu.memory_space<hbm>> -> memref<1x2048xf32, #tpu.memory_space<hbm>>
    %dma_wait3A_28 = tpu.memref_squeeze %dma_wait3A_27 : memref<1x2048xf32, #tpu.memory_space<hbm>> -> memref<2048xf32, #tpu.memory_space<hbm>>
    %dma_wait3A_29 = arith.constant 0 : i32
    %dma_wait3A_30 = tpu.memref_slice %arg3[%arg1, %dma_wait3A_29] : memref<16x2048xf32, #tpu.memory_space<hbm>> -> memref<1x2048xf32, #tpu.memory_space<hbm>>
    %dma_wait3A_31 = tpu.memref_squeeze %dma_wait3A_30 : memref<1x2048xf32, #tpu.memory_space<hbm>> -> memref<2048xf32, #tpu.memory_space<hbm>>
    tpu.wait_dma2 semaphore(%arg12 : memref<!tpu.dma_semaphore, #tpu.memory_space<semaphore_mem>>) src(%dma_wait3A_31 : memref<2048xf32, #tpu.memory_space<hbm>>) dst(%arg7 : memref<2048xf32, #tpu.memory_space<vmem>>)
    %dma_wait3A_32 = arith.constant 0 : i32
    %dma_wait3A_33 = tpu.memref_slice %arg4[%arg1, %dma_wait3A_32] : memref<16x2048xf32, #tpu.memory_space<hbm>> -> memref<1x2048xf32, #tpu.memory_space<hbm>>
    %dma_wait3A_34 = tpu.memref_squeeze %dma_wait3A_33 : memref<1x2048xf32, #tpu.memory_space<hbm>> -> memref<2048xf32, #tpu.memory_space<hbm>>
    %dma_wait3A_35 = arith.constant 0 : i32
    %dma_wait3A_36 = tpu.memref_slice %arg4[%arg1, %dma_wait3A_35] : memref<16x2048xf32, #tpu.memory_space<hbm>> -> memref<1x2048xf32, #tpu.memory_space<hbm>>
    %dma_wait3A_37 = tpu.memref_squeeze %dma_wait3A_36 : memref<1x2048xf32, #tpu.memory_space<hbm>> -> memref<2048xf32, #tpu.memory_space<hbm>>
    tpu.wait_dma2 semaphore(%arg12 : memref<!tpu.dma_semaphore, #tpu.memory_space<semaphore_mem>>) src(%dma_wait3A_37 : memref<2048xf32, #tpu.memory_space<hbm>>) dst(%arg8 : memref<2048xf32, #tpu.memory_space<vmem>>)
    %dma_wait3A_38 = arith.constant 0 : i32
    %dma_wait3A_39 = tpu.memref_slice %arg5[%arg1, %dma_wait3A_38] : memref<16x2048xf32, #tpu.memory_space<hbm>> -> memref<1x2048xf32, #tpu.memory_space<hbm>>
    %dma_wait3A_40 = tpu.memref_squeeze %dma_wait3A_39 : memref<1x2048xf32, #tpu.memory_space<hbm>> -> memref<2048xf32, #tpu.memory_space<hbm>>
    %dma_wait3A_41 = arith.constant 0 : i32
    %dma_wait3A_42 = tpu.memref_slice %arg5[%arg1, %dma_wait3A_41] : memref<16x2048xf32, #tpu.memory_space<hbm>> -> memref<1x2048xf32, #tpu.memory_space<hbm>>
    %dma_wait3A_43 = tpu.memref_squeeze %dma_wait3A_42 : memref<1x2048xf32, #tpu.memory_space<hbm>> -> memref<2048xf32, #tpu.memory_space<hbm>>
    tpu.wait_dma2 semaphore(%arg12 : memref<!tpu.dma_semaphore, #tpu.memory_space<semaphore_mem>>) src(%dma_wait3A_43 : memref<2048xf32, #tpu.memory_space<hbm>>) dst(%arg9 : memref<2048xf32, #tpu.memory_space<vmem>>)
    %get3A = arith.constant 0 : index
    %get3A_44 = tpu.vector_load %arg7[%get3A] {strides = array<i32>} : memref<2048xf32, #tpu.memory_space<vmem>>, vector<16xf32>,
    %get3A_45 = arith.constant 0 : index
    %get3A_46 = tpu.vector_load %arg8[%get3A_45] {strides = array<i32>} : memref<2048xf32, #tpu.memory_space<vmem>>, vector<16xf32>,
    %scan3A = arith.constant 1 : i32
    %scan3A_47 = arith.constant 127 : i32
    %scan3A_48 = arith.addi %scan3A, %scan3A_47 : i32
    %scan3A_49 = arith.constant 1 : i32
    %scan3A_50:2 = scf.for %scan3A_121 = %scan3A to %scan3A_48 step %scan3A_49 iter_args(%scan3A_122 = %get3A_44, %scan3A_123 = %get3A_46) -> (vector<16xf32>, vector<16xf32>)  : i32 {
      %mul3A_124 = arith.constant 16 : i32
      %mul3A_125 = arith.muli %scan3A_121, %mul3A_124 : i32
      %get3A_126 = arith.index_cast %mul3A_125 : i32 to index
      %get3A_127 = tpu.vector_load %arg7[%get3A_126] {strides = array<i32>} : memref<2048xf32, #tpu.memory_space<vmem>>, vector<16xf32>,
      %mul3A_128 = arith.constant 16 : i32
      %mul3A_129 = arith.muli %scan3A_121, %mul3A_128 : i32
      %get3A_130 = arith.index_cast %mul3A_129 : i32 to index
      %get3A_131 = tpu.vector_load %arg8[%get3A_130] {strides = array<i32>} : memref<2048xf32, #tpu.memory_space<vmem>>, vector<16xf32>,
      %max3A = arith.maximumf %scan3A_122, %get3A_127 : vector<16xf32>
      %max3A_132 = arith.maximumf %scan3A_123, %get3A_131 : vector<16xf32>
      scf.yield %max3A, %max3A_132 : vector<16xf32>, vector<16xf32>
    }
    %scan3A_51 = arith.constant 127 : i32
    %reduce_max3A = arith.constant true
    %reduce_max3A_52 = vector.broadcast %reduce_max3A : i1 to vector<16xi1>
    %reduce_max3A_53 = tpu.scan <max>, %scan3A_50#0 masked %reduce_max3A_52 : vector<16xf32>, vector<16xi1> -> vector<16xf32>
    %reduce_max3A_54 = vector.extract %reduce_max3A_53[15] : f32 from vector<16xf32>
    %reduce_max3A_55 = arith.constant true
    %reduce_max3A_56 = vector.broadcast %reduce_max3A_55 : i1 to vector<16xi1>
    %reduce_max3A_57 = tpu.scan <max>, %scan3A_50#1 masked %reduce_max3A_56 : vector<16xf32>, vector<16xi1> -> vector<16xf32>
    %reduce_max3A_58 = vector.extract %reduce_max3A_57[15] : f32 from vector<16xf32>
    %broadcast_in_dim3A = vector.broadcast %reduce_max3A_54 : f32 to vector<16xf32>
    %broadcast_in_dim3A_59 = arith.constant 5.120000e+02 : f32
    %broadcast_in_dim3A_60 = vector.broadcast %broadcast_in_dim3A_59 : f32 to vector<16xf32>
    %div3A = arith.divf %broadcast_in_dim3A_60, %broadcast_in_dim3A : vector<16xf32>
    %gt3A = arith.constant 0.000000e+00 : f32
    %gt3A_61 = vector.broadcast %gt3A : f32 to vector<16xf32>
    %gt3A_62 = arith.cmpf ogt, %broadcast_in_dim3A, %gt3A_61 : vector<16xf32>
    %broadcast_in_dim3A_63 = arith.constant 1.000000e+00 : f32
    %broadcast_in_dim3A_64 = vector.broadcast %broadcast_in_dim3A_63 : f32 to vector<16xf32>
    %select_n3A = arith.select %gt3A_62, %div3A, %broadcast_in_dim3A_64 : vector<16xi1>, vector<16xf32>
    %broadcast_in_dim3A_65 = vector.broadcast %reduce_max3A_58 : f32 to vector<16xf32>
    %broadcast_in_dim3A_66 = arith.constant 5.120000e+02 : f32
    %broadcast_in_dim3A_67 = vector.broadcast %broadcast_in_dim3A_66 : f32 to vector<16xf32>
    %div3A_68 = arith.divf %broadcast_in_dim3A_67, %broadcast_in_dim3A_65 : vector<16xf32>
    %gt3A_69 = arith.constant 0.000000e+00 : f32
    %gt3A_70 = vector.broadcast %gt3A_69 : f32 to vector<16xf32>
    %gt3A_71 = arith.cmpf ogt, %broadcast_in_dim3A_65, %gt3A_70 : vector<16xf32>
    %broadcast_in_dim3A_72 = arith.constant 1.000000e+00 : f32
    %broadcast_in_dim3A_73 = vector.broadcast %broadcast_in_dim3A_72 : f32 to vector<16xf32>
    %select_n3A_74 = arith.select %gt3A_71, %div3A_68, %broadcast_in_dim3A_73 : vector<16xi1>, vector<16xf32>
    %broadcast_in_dim3A_75 = arith.constant 0.000000e+00 : f32
    %broadcast_in_dim3A_76 = vector.broadcast %broadcast_in_dim3A_75 : f32 to vector<16xf32>
    %add3A_77 = arith.constant 0 : i32
    %add3A_78 = arith.addi %mul3A_2, %add3A_77 : i32
    %dma_wait3A_79 = arith.constant 0 : i32
    %dma_wait3A_80 = tpu.memref_slice %arg2[%add3A_5, %dma_wait3A_79] : memref<8192x512xf32, #tpu.memory_space<hbm>> -> memref<128x512xf32, #tpu.memory_space<hbm>>
    %dma_wait3A_81 = arith.constant 0 : i32
    %dma_wait3A_82 = tpu.memref_slice %arg2[%add3A_5, %dma_wait3A_81] : memref<8192x512xf32, #tpu.memory_space<hbm>> -> memref<128x512xf32, #tpu.memory_space<hbm>>
    tpu.wait_dma2 semaphore(%arg13 : memref<!tpu.dma_semaphore, #tpu.memory_space<semaphore_mem>>) src(%dma_wait3A_82 : memref<128x512xf32, #tpu.memory_space<hbm>>) dst(%arg10 : memref<128x512xf32, #tpu.memory_space<vmem>>)
    %scan3A_83 = arith.constant 0 : i32
    %scan3A_84 = arith.constant 128 : i32
    %scan3A_85 = arith.addi %scan3A_83, %scan3A_84 : i32
    %scan3A_86 = arith.constant 1 : i32
    %scan3A_87 = scf.for %scan3A_121 = %scan3A_83 to %scan3A_85 step %scan3A_86 iter_args(%scan3A_122 = %broadcast_in_dim3A_76) -> (vector<16xf32>)  : i32 {
      %mul3A_123 = arith.constant 16 : i32
      %mul3A_124 = arith.muli %scan3A_121, %mul3A_123 : i32
      %get3A_125 = arith.index_cast %mul3A_124 : i32 to index
      %get3A_126 = tpu.vector_load %arg7[%get3A_125] {strides = array<i32>} : memref<2048xf32, #tpu.memory_space<vmem>>, vector<16xf32>,
      %mul3A_127 = arith.constant 16 : i32
      %mul3A_128 = arith.muli %scan3A_121, %mul3A_127 : i32
      %get3A_129 = arith.index_cast %mul3A_128 : i32 to index
      %get3A_130 = tpu.vector_load %arg8[%get3A_129] {strides = array<i32>} : memref<2048xf32, #tpu.memory_space<vmem>>, vector<16xf32>,
      %mul3A_131 = arith.constant 16 : i32
      %mul3A_132 = arith.muli %scan3A_121, %mul3A_131 : i32
      %get3A_133 = arith.index_cast %mul3A_132 : i32 to index
      %get3A_134 = tpu.vector_load %arg9[%get3A_133] {strides = array<i32>} : memref<2048xf32, #tpu.memory_space<vmem>>, vector<16xf32>,
      %mul3A_135 = arith.mulf %get3A_126, %select_n3A : vector<16xf32>
      %convert_element_type3A = arith.fptosi %mul3A_135 : vector<16xf32> to vector<16xi32>
      %jit3A = arith.constant 0 : i32
      %jit3A_136 = arith.constant 511 : i32
      %max3A = vector.broadcast %jit3A : i32 to vector<16xi32>
      %max3A_137 = arith.maxsi %max3A, %convert_element_type3A : vector<16xi32>
      %min3A = vector.broadcast %jit3A_136 : i32 to vector<16xi32>
      %min3A_138 = arith.minsi %min3A, %max3A_137 : vector<16xi32>
      %mul3A_139 = arith.mulf %get3A_130, %select_n3A_74 : vector<16xf32>
      %convert_element_type3A_140 = arith.fptosi %mul3A_139 : vector<16xf32> to vector<16xi32>
      %jit3A_141 = arith.constant 0 : i32
      %jit3A_142 = arith.constant 511 : i32
      %max3A_143 = vector.broadcast %jit3A_141 : i32 to vector<16xi32>
      %max3A_144 = arith.maxsi %max3A_143, %convert_element_type3A_140 : vector<16xi32>
      %min3A_145 = vector.broadcast %jit3A_142 : i32 to vector<16xi32>
      %min3A_146 = arith.minsi %min3A_145, %max3A_144 : vector<16xi32>
      %sub3A = vector.broadcast %add3A_78 : i32 to vector<16xi32>
      %sub3A_147 = arith.subi %min3A_146, %sub3A : vector<16xi32>
      %ge3A = arith.constant 0 : i32
      %ge3A_148 = vector.broadcast %ge3A : i32 to vector<16xi32>
      %ge3A_149 = arith.cmpi sge, %sub3A_147, %ge3A_148 : vector<16xi32>
      %lt3A = arith.constant 128 : i32
      %lt3A_150 = vector.broadcast %lt3A : i32 to vector<16xi32>
      %lt3A_151 = arith.cmpi slt, %sub3A_147, %lt3A_150 : vector<16xi32>
      %and3A = arith.andi %ge3A_149, %lt3A_151 : vector<16xi1>
      %gather3A = tpu.vector_load_idx %arg10[%sub3A_147, %min3A_138] masked %and3A : memref<128x512xf32, #tpu.memory_space<vmem>>[vector<16xi32>, vector<16xi32>], vector<16xf32>, vector<16xi1>
      %sub3A_152 = arith.subf %gather3A, %get3A_134 : vector<16xf32>
      %jit3A_153 = arith.constant 0.000000e+00 : f32
      %broadcast_in_dim3A_154 = vector.broadcast %jit3A_153 : f32 to vector<16xf32>
      %select_n3A_155 = arith.select %and3A, %sub3A_152, %broadcast_in_dim3A_154 : vector<16xi1>, vector<16xf32>
      %mul3A_156 = arith.mulf %select_n3A_155, %select_n3A_155 : vector<16xf32>
      %add3A_157 = arith.addf %scan3A_122, %mul3A_156 : vector<16xf32>
      scf.yield %add3A_157 : vector<16xf32>
    }
    %scan3A_88 = arith.constant 128 : i32
    %add3A_89 = arith.constant 128 : i32
    %add3A_90 = arith.addi %mul3A_2, %add3A_89 : i32
    %mul3A_91 = arith.constant 512 : i32
    %mul3A_92 = arith.muli %arg1, %mul3A_91 : i32
    %add3A_93 = arith.addi %mul3A_92, %add3A_90 : i32
    %dma_start3A_94 = arith.constant 0 : i32
    %dma_start3A_95 = tpu.memref_slice %arg2[%add3A_93, %dma_start3A_94] : memref<8192x512xf32, #tpu.memory_space<hbm>> -> memref<128x512xf32, #tpu.memory_space<hbm>>
    %dma_start3A_96 = arith.constant 0 : i32
    %dma_start3A_97 = tpu.memref_slice %arg2[%add3A_93, %dma_start3A_96] : memref<8192x512xf32, #tpu.memory_space<hbm>> -> memref<128x512xf32, #tpu.memory_space<hbm>>
    tpu.enqueue_dma source(%dma_start3A_97 : memref<128x512xf32, #tpu.memory_space<hbm>>) target(%arg10 : memref<128x512xf32, #tpu.memory_space<vmem>>) target_semaphore(%arg13 : memref<!tpu.dma_semaphore, #tpu.memory_space<semaphore_mem>>)
    %dma_wait3A_98 = arith.constant 0 : i32
    %dma_wait3A_99 = tpu.memref_slice %arg2[%add3A_93, %dma_wait3A_98] : memref<8192x512xf32, #tpu.memory_space<hbm>> -> memref<128x512xf32, #tpu.memory_space<hbm>>
    %dma_wait3A_100 = arith.constant 0 : i32
    %dma_wait3A_101 = tpu.memref_slice %arg2[%add3A_93, %dma_wait3A_100] : memref<8192x512xf32, #tpu.memory_space<hbm>> -> memref<128x512xf32, #tpu.memory_space<hbm>>
    tpu.wait_dma2 semaphore(%arg13 : memref<!tpu.dma_semaphore, #tpu.memory_space<semaphore_mem>>) src(%dma_wait3A_101 : memref<128x512xf32, #tpu.memory_space<hbm>>) dst(%arg10 : memref<128x512xf32, #tpu.memory_space<vmem>>)
    %scan3A_102 = arith.constant 0 : i32
    %scan3A_103 = arith.constant 128 : i32
    %scan3A_104 = arith.addi %scan3A_102, %scan3A_103 : i32
    %scan3A_105 = arith.constant 1 : i32
    %scan3A_106 = scf.for %scan3A_121 = %scan3A_102 to %scan3A_104 step %scan3A_105 iter_args(%scan3A_122 = %scan3A_87) -> (vector<16xf32>)  : i32 {
      %mul3A_123 = arith.constant 16 : i32
      %mul3A_124 = arith.muli %scan3A_121, %mul3A_123 : i32
      %get3A_125 = arith.index_cast %mul3A_124 : i32 to index
      %get3A_126 = tpu.vector_load %arg7[%get3A_125] {strides = array<i32>} : memref<2048xf32, #tpu.memory_space<vmem>>, vector<16xf32>,
      %mul3A_127 = arith.constant 16 : i32
      %mul3A_128 = arith.muli %scan3A_121, %mul3A_127 : i32
      %get3A_129 = arith.index_cast %mul3A_128 : i32 to index
      %get3A_130 = tpu.vector_load %arg8[%get3A_129] {strides = array<i32>} : memref<2048xf32, #tpu.memory_space<vmem>>, vector<16xf32>,
      %mul3A_131 = arith.constant 16 : i32
      %mul3A_132 = arith.muli %scan3A_121, %mul3A_131 : i32
      %get3A_133 = arith.index_cast %mul3A_132 : i32 to index
      %get3A_134 = tpu.vector_load %arg9[%get3A_133] {strides = array<i32>} : memref<2048xf32, #tpu.memory_space<vmem>>, vector<16xf32>,
      %mul3A_135 = arith.mulf %get3A_126, %select_n3A : vector<16xf32>
      %convert_element_type3A = arith.fptosi %mul3A_135 : vector<16xf32> to vector<16xi32>
      %jit3A = arith.constant 0 : i32
      %jit3A_136 = arith.constant 511 : i32
      %max3A = vector.broadcast %jit3A : i32 to vector<16xi32>
      %max3A_137 = arith.maxsi %max3A, %convert_element_type3A : vector<16xi32>
      %min3A = vector.broadcast %jit3A_136 : i32 to vector<16xi32>
      %min3A_138 = arith.minsi %min3A, %max3A_137 : vector<16xi32>
      %mul3A_139 = arith.mulf %get3A_130, %select_n3A_74 : vector<16xf32>
      %convert_element_type3A_140 = arith.fptosi %mul3A_139 : vector<16xf32> to vector<16xi32>
      %jit3A_141 = arith.constant 0 : i32
      %jit3A_142 = arith.constant 511 : i32
      %max3A_143 = vector.broadcast %jit3A_141 : i32 to vector<16xi32>
      %max3A_144 = arith.maxsi %max3A_143, %convert_element_type3A_140 : vector<16xi32>
      %min3A_145 = vector.broadcast %jit3A_142 : i32 to vector<16xi32>
      %min3A_146 = arith.minsi %min3A_145, %max3A_144 : vector<16xi32>
      %sub3A = vector.broadcast %add3A_90 : i32 to vector<16xi32>
      %sub3A_147 = arith.subi %min3A_146, %sub3A : vector<16xi32>
      %ge3A = arith.constant 0 : i32
      %ge3A_148 = vector.broadcast %ge3A : i32 to vector<16xi32>
      %ge3A_149 = arith.cmpi sge, %sub3A_147, %ge3A_148 : vector<16xi32>
      %lt3A = arith.constant 128 : i32
      %lt3A_150 = vector.broadcast %lt3A : i32 to vector<16xi32>
      %lt3A_151 = arith.cmpi slt, %sub3A_147, %lt3A_150 : vector<16xi32>
      %and3A = arith.andi %ge3A_149, %lt3A_151 : vector<16xi1>
      %gather3A = tpu.vector_load_idx %arg10[%sub3A_147, %min3A_138] masked %and3A : memref<128x512xf32, #tpu.memory_space<vmem>>[vector<16xi32>, vector<16xi32>], vector<16xf32>, vector<16xi1>
      %sub3A_152 = arith.subf %gather3A, %get3A_134 : vector<16xf32>
      %jit3A_153 = arith.constant 0.000000e+00 : f32
      %broadcast_in_dim3A_154 = vector.broadcast %jit3A_153 : f32 to vector<16xf32>
      %select_n3A_155 = arith.select %and3A, %sub3A_152, %broadcast_in_dim3A_154 : vector<16xi1>, vector<16xf32>
      %mul3A_156 = arith.mulf %select_n3A_155, %select_n3A_155 : vector<16xf32>
      %add3A_157 = arith.addf %scan3A_122, %mul3A_156 : vector<16xf32>
      scf.yield %add3A_157 : vector<16xf32>
    }
    %scan3A_107 = arith.constant 128 : i32
    %swap3A = arith.constant 0 : index
    %swap3A_108 = tpu.vector_load %arg11[%swap3A] {strides = array<i32>} : memref<16xf32, #tpu.memory_space<vmem>>, vector<16xf32>,
    tpu.vector_store %arg11[%swap3A], %scan3A_106 {strides = array<i32>} : memref<16xf32, #tpu.memory_space<vmem>>, vector<16xf32>,
    %dma_start3A_109 = arith.constant 0 : i32
    %dma_start3A_110 = tpu.memref_slice %arg6[%add3A, %dma_start3A_109] : memref<32x16xf32, #tpu.memory_space<hbm>> -> memref<1x16xf32, #tpu.memory_space<hbm>>
    %dma_start3A_111 = tpu.memref_squeeze %dma_start3A_110 : memref<1x16xf32, #tpu.memory_space<hbm>> -> memref<16xf32, #tpu.memory_space<hbm>>
    %dma_start3A_112 = arith.constant 0 : i32
    %dma_start3A_113 = tpu.memref_slice %arg6[%add3A, %dma_start3A_112] : memref<32x16xf32, #tpu.memory_space<hbm>> -> memref<1x16xf32, #tpu.memory_space<hbm>>
    %dma_start3A_114 = tpu.memref_squeeze %dma_start3A_113 : memref<1x16xf32, #tpu.memory_space<hbm>> -> memref<16xf32, #tpu.memory_space<hbm>>
    tpu.enqueue_dma source(%arg11 : memref<16xf32, #tpu.memory_space<vmem>>) target(%dma_start3A_114 : memref<16xf32, #tpu.memory_space<hbm>>) target_semaphore(%arg12 : memref<!tpu.dma_semaphore, #tpu.memory_space<semaphore_mem>>)
    %dma_wait3A_115 = arith.constant 0 : i32
    %dma_wait3A_116 = tpu.memref_slice %arg6[%add3A, %dma_wait3A_115] : memref<32x16xf32, #tpu.memory_space<hbm>> -> memref<1x16xf32, #tpu.memory_space<hbm>>
    %dma_wait3A_117 = tpu.memref_squeeze %dma_wait3A_116 : memref<1x16xf32, #tpu.memory_space<hbm>> -> memref<16xf32, #tpu.memory_space<hbm>>
    %dma_wait3A_118 = arith.constant 0 : i32
    %dma_wait3A_119 = tpu.memref_slice %arg6[%add3A, %dma_wait3A_118] : memref<32x16xf32, #tpu.memory_space<hbm>> -> memref<1x16xf32, #tpu.memory_space<hbm>>
    %dma_wait3A_120 = tpu.memref_squeeze %dma_wait3A_119 : memref<1x16xf32, #tpu.memory_space<hbm>> -> memref<16xf32, #tpu.memory_space<hbm>>
    tpu.wait_dma2 semaphore(%arg12 : memref<!tpu.dma_semaphore, #tpu.memory_space<semaphore_mem>>) src(%arg11 : memref<16xf32, #tpu.memory_space<vmem>>) dst(%dma_wait3A_120 : memref<16xf32, #tpu.memory_space<hbm>>)
    return
  }
}

module attributes {stable_mosaic.version = 14 : i64} {
  func.func @_tc_finalize_body(%arg0: memref<32x16xf32, #tpu.memory_space<vmem>>, %arg1: memref<16x2xf32, #tpu.memory_space<vmem>>, %arg2: memref<16x2xf32, #tpu.memory_space<vmem>>, %arg3: memref<1xf32, #tpu.memory_space<smem>>, %arg4: memref<1xf32, #tpu.memory_space<smem>>, %arg5: memref<1xf32, #tpu.memory_space<smem>>) attributes {dimension_semantics = [], scalar_prefetch = 0 : i64, scratch_operands = 0 : i64, tpu.core_type = #tpu.core_type<tc>} {
    %get3A = arith.constant 0 : index
    %get3A_0 = arith.constant 0 : index
    %get3A_1 = vector.load %arg0[%get3A, %get3A_0] : memref<32x16xf32, #tpu.memory_space<vmem>>, vector<32x16xf32>
    %reduce_sum3A = vector.shape_cast %get3A_1 : vector<32x16xf32> to vector<1x32x16xf32>
    %reduce_sum3A_2 = arith.constant dense<0.000000e+00> : vector<1xf32>
    %reduce_sum3A_3 = vector.multi_reduction <add>, %reduce_sum3A, %reduce_sum3A_2 [1, 2] : vector<1x32x16xf32> to vector<1xf32>
    %reduce_sum3A_4 = vector.shape_cast %reduce_sum3A_3 : vector<1xf32> to vector<1x1x1xf32>
    %reduce_sum3A_5 = vector.extract %reduce_sum3A_4[0, 0, 0] : f32 from vector<1x1x1xf32>
    %div3A = arith.constant 3.276800e+04 : f32
    %div3A_6 = arith.divf %reduce_sum3A_5, %div3A : f32
    %get3A_7 = arith.constant 0 : index
    %get3A_8 = arith.constant 0 : index
    %get3A_9 = vector.load %arg1[%get3A_7, %get3A_8] : memref<16x2xf32, #tpu.memory_space<vmem>>, vector<16x2xf32>
    %reduce_max3A = arith.constant dense<0xFF800000> : vector<16xf32>
    %reduce_max3A_10 = vector.multi_reduction <maximumf>, %get3A_9, %reduce_max3A [1] : vector<16x2xf32> to vector<16xf32>
    %max3A = arith.constant 0xFF800000 : f32
    %max3A_11 = vector.broadcast %max3A : f32 to vector<16xf32>
    %max3A_12 = arith.maximumf %max3A_11, %reduce_max3A_10 : vector<16xf32>
    %broadcast_in_dim3A = vector.shape_cast %max3A_12 : vector<16xf32> to vector<16x1xf32>
    %sub3A = vector.broadcast %broadcast_in_dim3A : vector<16x1xf32> to vector<16x2xf32>
    %sub3A_13 = arith.subf %get3A_9, %sub3A : vector<16x2xf32>
    %exp3A = math.exp %sub3A_13 : vector<16x2xf32>
    %reduce_sum3A_14 = arith.constant dense<0.000000e+00> : vector<16xf32>
    %reduce_sum3A_15 = vector.multi_reduction <add>, %exp3A, %reduce_sum3A_14 [1] : vector<16x2xf32> to vector<16xf32>
    %broadcast_in_dim3A_16 = vector.shape_cast %reduce_sum3A_15 : vector<16xf32> to vector<16x1xf32>
    %log3A = math.log %broadcast_in_dim3A_16 : vector<16x1xf32>
    %sub3A_17 = vector.broadcast %log3A : vector<16x1xf32> to vector<16x2xf32>
    %sub3A_18 = arith.subf %sub3A_13, %sub3A_17 : vector<16x2xf32>
    %get3A_19 = arith.constant 0 : index
    %get3A_20 = arith.constant 0 : index
    %get3A_21 = vector.load %arg2[%get3A_19, %get3A_20] : memref<16x2xf32, #tpu.memory_space<vmem>>, vector<16x2xf32>
    %reduce_max3A_22 = arith.constant dense<0xFF800000> : vector<16xf32>
    %reduce_max3A_23 = vector.multi_reduction <maximumf>, %get3A_21, %reduce_max3A_22 [1] : vector<16x2xf32> to vector<16xf32>
    %max3A_24 = arith.constant 0xFF800000 : f32
    %max3A_25 = vector.broadcast %max3A_24 : f32 to vector<16xf32>
    %max3A_26 = arith.maximumf %max3A_25, %reduce_max3A_23 : vector<16xf32>
    %broadcast_in_dim3A_27 = vector.shape_cast %max3A_26 : vector<16xf32> to vector<16x1xf32>
    %sub3A_28 = vector.broadcast %broadcast_in_dim3A_27 : vector<16x1xf32> to vector<16x2xf32>
    %sub3A_29 = arith.subf %get3A_21, %sub3A_28 : vector<16x2xf32>
    %exp3A_30 = math.exp %sub3A_29 : vector<16x2xf32>
    %reduce_sum3A_31 = arith.constant dense<0.000000e+00> : vector<16xf32>
    %reduce_sum3A_32 = vector.multi_reduction <add>, %exp3A_30, %reduce_sum3A_31 [1] : vector<16x2xf32> to vector<16xf32>
    %broadcast_in_dim3A_33 = vector.shape_cast %reduce_sum3A_32 : vector<16xf32> to vector<16x1xf32>
    %log3A_34 = math.log %broadcast_in_dim3A_33 : vector<16x1xf32>
    %sub3A_35 = vector.broadcast %log3A_34 : vector<16x1xf32> to vector<16x2xf32>
    %sub3A_36 = arith.subf %sub3A_29, %sub3A_35 : vector<16x2xf32>
    %slice3A = vector.extract_strided_slice %sub3A_18 {offsets = [0, 0], sizes = [16, 1], strides = [1, 1]} : vector<16x2xf32> to vector<16x1xf32>
    %squeeze3A = vector.shape_cast %slice3A : vector<16x1xf32> to vector<16xf32>
    %reduce_sum3A_37 = vector.shape_cast %squeeze3A : vector<16xf32> to vector<1x16xf32>
    %reduce_sum3A_38 = arith.constant dense<0.000000e+00> : vector<1xf32>
    %reduce_sum3A_39 = vector.multi_reduction <add>, %reduce_sum3A_37, %reduce_sum3A_38 [1] : vector<1x16xf32> to vector<1xf32>
    %reduce_sum3A_40 = vector.shape_cast %reduce_sum3A_39 : vector<1xf32> to vector<1x1xf32>
    %reduce_sum3A_41 = vector.extract %reduce_sum3A_40[0, 0] : f32 from vector<1x1xf32>
    %div3A_42 = arith.constant 1.600000e+01 : f32
    %div3A_43 = arith.divf %reduce_sum3A_41, %div3A_42 : f32
    %neg3A = arith.constant 0.000000e+00 : f32
    %neg3A_44 = arith.subf %neg3A, %div3A_43 : f32
    %slice3A_45 = vector.extract_strided_slice %sub3A_36 {offsets = [0, 1], sizes = [16, 1], strides = [1, 1]} : vector<16x2xf32> to vector<16x1xf32>
    %squeeze3A_46 = vector.shape_cast %slice3A_45 : vector<16x1xf32> to vector<16xf32>
    %reduce_sum3A_47 = vector.shape_cast %squeeze3A_46 : vector<16xf32> to vector<1x16xf32>
    %reduce_sum3A_48 = arith.constant dense<0.000000e+00> : vector<1xf32>
    %reduce_sum3A_49 = vector.multi_reduction <add>, %reduce_sum3A_47, %reduce_sum3A_48 [1] : vector<1x16xf32> to vector<1xf32>
    %reduce_sum3A_50 = vector.shape_cast %reduce_sum3A_49 : vector<1xf32> to vector<1x1xf32>
    %reduce_sum3A_51 = vector.extract %reduce_sum3A_50[0, 0] : f32 from vector<1x1xf32>
    %div3A_52 = arith.constant 1.600000e+01 : f32
    %div3A_53 = arith.divf %reduce_sum3A_51, %div3A_52 : f32
    %neg3A_54 = arith.constant 0.000000e+00 : f32
    %neg3A_55 = arith.subf %neg3A_54, %div3A_53 : f32
    %add3A = arith.addf %neg3A_44, %neg3A_55 : f32
    %mul3A = arith.constant 5.000000e-01 : f32
    %mul3A_56 = arith.mulf %add3A, %mul3A : f32
    %mul3A_57 = arith.constant 1.000000e-01 : f32
    %mul3A_58 = arith.mulf %mul3A_57, %mul3A_56 : f32
    %add3A_59 = arith.addf %div3A_6, %mul3A_58 : f32
    %swap3A = arith.constant 0 : index
    %swap3A_60 = memref.load %arg3[%swap3A] : memref<1xf32, #tpu.memory_space<smem>>
    memref.store %add3A_59, %arg3[%swap3A] : memref<1xf32, #tpu.memory_space<smem>>
    %swap3A_61 = arith.constant 0 : index
    %swap3A_62 = memref.load %arg4[%swap3A_61] : memref<1xf32, #tpu.memory_space<smem>>
    memref.store %div3A_6, %arg4[%swap3A_61] : memref<1xf32, #tpu.memory_space<smem>>
    %swap3A_63 = arith.constant 0 : index
    %swap3A_64 = memref.load %arg5[%swap3A_63] : memref<1xf32, #tpu.memory_space<smem>>
    memref.store %mul3A_56, %arg5[%swap3A_63] : memref<1xf32, #tpu.memory_space<smem>>
    return
  }
}

</mosaic_0001>

<sc_bundles>
// kernel: kernel.4.cloned.1.call-start
scs
__scs_entry_jumppad:
0x0: {  	(pc) =	sbr.rel $0x88, $3  }
0x1: {  	(tag) =	ssettag $0x0;
	lr =	simm.s32 $0x1  }
0x2: {  	[smem:$0x3F9C] =	sst lr;
	_ =	strace $0xD0000000  }
0x3: {  	_ = 	snop  }
0x4: {  	_ = 	snop  }
0x5: {  	_ = 	snop  }
0x6: {  	_ = 	snop  }
0x7: {  	_ = 	snop  }
__scs_overlays_trampoline_lowered:
0x8: {  	[smem:$0x3FAB] =	sst s0  }
0x9: {  	[smem:$0x3FAC] =	sst s1  }
0xa: {  	[smem:$0x3FAD] =	sst s2  }
0xb: {  	[smem:$0x3FAE] =	sst s3  }
0xc: {  	[smem:$0x3FAF] =	sst s4  }
0xd: {  	[smem:$0x3FB0] =	sst s5  }
0xe: {  	[smem:$0x3FB1] =	sst s6  }
0xf: {  	[smem:$0x3FB2] =	sst s7  }
0x10: {  	[smem:$0x3FB3] =	sst s8  }
0x11: {  	[smem:$0x3FB4] =	sst s9;
	s0 =	simm.s32 @!p0 $0x0  }
0x12: {  	s1 =	sld [smem:$0x3F9A];
	s0 =	simm.s32 @p0 $0x1  }
0x13: {  	[smem:$0x3FB5] =	sst s0;
	s0 =	simm.s32 @!p1 $0x0  }
0x14: {  	s2 =	sld [smem:$0x3F99];
	s0 =	simm.s32 @p1 $0x1  }
0x15: {  	[smem:$0x3FB6] =	sst s0;
	s0 =	simm.s32 @!p2 $0x0  }
0x16: {  	s3 =	sld [smem:$0x3FDB];
	s0 =	simm.s32 @p2 $0x1  }
0x17: {  	s4 =	simm.s32 $0x1BF5;
	[smem:$0x3FB8] =	sst s0  }
0x18: {  	s0 =	sld [smem:$0x3F9B];
	_ =	swait.ge [sflag:s4], $0x0  }
0x19: {  	s7 =	sld [smem:$0x3F9C]  }
0x1a: {  	s8 =	sadd.s32 $0xFFFFE003, lr  }
0x1b: {  	s9 =	sadd.s32 $0xFFFFFEF7, lr;
	s5 =	simm.s32 $0xFFFFFFFF;
	p2 =	slt.u32 s8, $0xFFFFF086  }
0x1c: {  	p1 =	slt.u32 s9, $0xF7A;
	s5 =	simm.s32 @!p2 $0x0  }
0x1d: {  	s5 =	simm.s32 @p1 $0x1;
	p0 =	seq.s32 s7, s2  }
0x1e: {  	s7 =	smul.u32 @!p0 $0xF7A, s2;
	p2 =	seq.s32 @!p0 s5, $0x0  }
0x1f: {  	s9 =	smul.u32 $0xF7A, s1;
	s8 =	simm.s32 @!p0 $0x1BF5;
	p2 =	por !p2, p0  }
0x20: {  	[sflag:s8] =	ssyncset.s32 @!p0 $0xFFFFF086;
	s6 =	sadd.s32 @!p0 s3, s7;
	s7 =	simm.s32 @!p0 $0x108  }
0x21: {  	s3 =	sadd.s32 s3, s9;
	s6 =	sadd.s32 @!p0 $0x88, s6;
	s7 =	simm.s32 @p2 $0x1082  }
0x22: {  	[simem:s7], [sflag:s8] =	dma.local @!p0 [hbm:s6], $0xF7A  }
0x23: {  	s9 =	sor.u32 $0xD0000000, s2;
	s6 =	simm.s32 $0x108;
	_ =	swait.ge @!p0 [sflag:s8], $0x0  }
0x24: {  	s3 =	sadd.s32 $0x88, s3;
	s6 =	simm.s32 @!p1 $0x1082;
	[sflag:s4] =	ssyncset.s32 $0xFFFFF086  }
0x25: {  	[simem:s6], [sflag:s4] =	dma.local [hbm:s3], $0xF7A  }
0x26: {  	[smem:$0x3F9C] =	sst s1;
	(tag) =	ssettag s2;
	_ =	strace s9  }
0x27: {  	s1 =	sld [smem:$0x3FAC]  }
0x28: {  	s2 =	sld [smem:$0x3FAD]  }
0x29: {  	s4 =	sld [smem:$0x3FAF]  }
0x2a: {  	p0 =	seq.s32 s5, $0x0;
	s5 =	sld [smem:$0x3FB0]  }
0x2b: {  	s6 =	sld [smem:$0x3FB1]  }
0x2c: {  	s7 =	sld [smem:$0x3FB2]  }
0x2d: {  	s3 =	simm.s32 $0x108;
	s8 =	sld [smem:$0x3FB3]  }
0x2e: {  	s3 =	simm.s32 @!p0 $0x1082;
	s9 =	sld [smem:$0x3FB4]  }
0x2f: {  	lr =	sadd.s32 s0, s3;
	s0 =	sld [smem:$0x3FAB]  }
0x30: {  	s3 =	sld [smem:$0x3FAE]  }
0x31: {  	[smem:$0x3FB7] =	sst s10  }
0x32: {  	s10 =	sld [smem:$0x3FB5];
	_ =	sdelay $0x3  }
0x33: {  	p0 =	seq.s32 s10, $0x1;
	s10 =	sld [smem:$0x3FB7];
	_ =	sdelay $0x3  }
0x34: {  	[smem:$0x3FB7] =	sst s10  }
0x35: {  	s10 =	sld [smem:$0x3FB6];
	_ =	sdelay $0x3  }
0x36: {  	p1 =	seq.s32 s10, $0x1;
	s10 =	sld [smem:$0x3FB7];
	_ =	sdelay $0x3  }
0x37: {  	[smem:$0x3FB7] =	sst s10  }
0x38: {  	s10 =	sld [smem:$0x3FB8]  }
0x39: {  	_ = 	snop;
	(pc) =	sbr.ind lr, $3  }
0x3a: {  	_ = 	snop  }
0x3b: {  	_ = 	snop  }
0x3c: {  	p2 =	seq.s32 s10, $0x1;
	s10 =	sld [smem:$0x3FB7]  }
0x3d: {  	_ =	shalt  }
0x3e: {  	_ =	shalt  }
0x3f: {  	_ =	shalt  }
0x40: {  	_ =	shalt  }
0x41: {  	_ =	shalt  }
0x42: {  	_ =	shalt  }
0x43: {  	_ =	shalt  }
0x44: {  	_ =	shalt  }
0x45: {  	_ =	shalt  }
0x46: {  	_ =	shalt  }
0x47: {  	_ =	shalt  }
0x48: {  	_ =	shalt  }
0x49: {  	_ =	shalt  }
0x4a: {  	_ =	shalt  }
0x4b: {  	_ =	shalt  }
0x4c: {  	_ =	shalt  }
0x4d: {  	_ =	shalt  }
0x4e: {  	_ =	shalt  }
0x4f: {  	_ =	shalt  }
0x50: {  	_ =	shalt  }
0x51: {  	_ =	shalt  }
0x52: {  	_ =	shalt  }
0x53: {  	_ =	shalt  }
0x54: {  	_ =	shalt  }
0x55: {  	_ =	shalt  }
0x56: {  	_ =	shalt  }
0x57: {  	_ =	shalt  }
0x58: {  	_ =	shalt  }
0x59: {  	_ =	shalt  }
0x5a: {  	_ =	shalt  }
0x5b: {  	_ =	shalt  }
0x5c: {  	_ =	shalt  }
0x5d: {  	_ =	shalt  }
0x5e: {  	_ =	shalt  }
0x5f: {  	_ =	shalt  }
0x60: {  	_ =	shalt  }
0x61: {  	_ =	shalt  }
0x62: {  	_ =	shalt  }
0x63: {  	_ =	shalt  }
0x64: {  	_ =	shalt  }
0x65: {  	_ =	shalt  }
0x66: {  	_ =	shalt  }
0x67: {  	_ =	shalt  }
0x68: {  	_ =	shalt  }
0x69: {  	_ =	shalt  }
0x6a: {  	_ =	shalt  }
0x6b: {  	_ =	shalt  }
0x6c: {  	_ =	shalt  }
0x6d: {  	_ =	shalt  }
0x6e: {  	_ =	shalt  }
0x6f: {  	_ =	shalt  }
0x70: {  	_ =	shalt  }
0x71: {  	_ =	shalt  }
0x72: {  	_ =	shalt  }
0x73: {  	_ =	shalt  }
0x74: {  	_ =	shalt  }
0x75: {  	_ =	shalt  }
0x76: {  	_ =	shalt  }
0x77: {  	_ =	shalt  }
0x78: {  	_ =	shalt  }
0x79: {  	_ =	shalt  }
0x7a: {  	_ =	shalt  }
0x7b: {  	_ =	shalt  }
0x7c: {  	_ =	shalt  }
0x7d: {  	_ =	shalt  }
0x7e: {  	_ =	shalt  }
0x7f: {  	_ =	shalt  }
0x80: {  	_ =	shalt  }
0x81: {  	_ =	shalt  }
0x82: {  	_ =	shalt  }
0x83: {  	_ =	shalt  }
0x84: {  	_ =	shalt  }
0x85: {  	_ =	shalt  }
0x86: {  	_ =	shalt  }
0x87: {  	_ =	shalt  }
.Lfunc_end0:
.L_simem_size_0:
called_computation_lowered:
.L_overlay_start_0:
0x88: {  	s2 =	sld [smem:$0x3FD9]  }
0x89: {  	s3 =	sld [smem:$0x3FFE];
	_ =	sdelay $0x1  }
0x8a: {  	s1 =	srdreg.scid  }
0x8b: {  	s0 =	sand.u32 $0x1, s1  }
0x8c: {  	s17 =	sshll.u32 s0, $0xA;
	s2 =	sadd.s32 s3, s2  }
0x8d: {  	s2 =	sadd.s32 s2, s17  }
0x8e: {  	[smem:$0x3FC3] =	sst s2  }
0x8f: {  	_ = 	snop  }
0x90: {  	s2 =	sld [smem:$0x3FC9]  }
0x91: {  	s18 =	sld [smem:$0x3FC7];
	(tm) =	ssettm $0x1  }
0x92: {  	s4 =	sld [smem:$0x3FFB];
	_ =	sdelay $0x3  }
0x93: {  	_ =	strace s4  }
0x94: {  	s4 =	sld [smem:$0x3FFC];
	_ =	sdelay $0x3  }
0x95: {  	_ =	strace s4  }
0x96: {  	s4 =	sld [smem:$0x3FFD];
	_ =	sdelay $0x3  }
0x97: {  	_ =	strace s4  }
0x98: {  	_ =	strace $0x8FFFFFFF  }
0x99: {  	s19 =	sld [smem:$0x3FDB];
	_ =	sdelay $0x1  }
0x9a: {  	s5 =	simm.s32 $_scs_section_size  }
0x9b: {  	s6 =	simm.s32 $_size__tile_overlayer_lowered;
	s7 =	simm.s32 $_tile_overlayer_lowered  }
0x9c: {  	s22 =	simm.s32 $0x1BFF;
	s21 =	sshll.u32 s7, $0x1;
	s4 =	sadd.s32 s5, s19  }
0x9d: {  	s8 =	simm.s32 $0x0;
	s20 =	sshll.u32 s6, $0x1;
	s6 =	sadd.s32 s21, s4  }
0x9e: {  	[timem:s8], [sflag:s22] =	dma.local [hbm:s6], s20  }
0x9f: {  	_ =	swait.ge [sflag:s22], s20  }
0xa0: {  	s5 =	ssub.s32 $0x0, s20;
	[sflag:s22] =	ssyncset.done $0x0  }
0xa1: {  	[sflag:s22] =	ssyncadd.s32 s5;
	_ =	sdelay $0x1  }
0xa2: {  	s23 =	simm.s32 $0x1B8B  }
0xa3: {  	_ =	swait.ge [sflag:s23], $0x1  }
0xa4: {  	[sflag:s23] =	ssyncset.done $0x0  }
0xa5: {  	s25 =	simm.s32 $0x1B8E;
	s24 =	sld [smem:$0x3FFE];
	[sflag:s23] =	ssyncadd.s32 $0xFFFFFFFF  }
0xa6: {  	s26 =	simm.s32 $execute0_lowered;
	[smem:$0x3FD2] =	sst s25  }
0xa7: {  	s6 =	sshll.u32 s26, $0x1;
	_ =	strace $0x80000046;
	[dreg:$0x1] =	wrdreg $0xFFFFFFFF  }
0xa8: {  	s28 =	simm.s32 $_size_execute0_lowered;
	s4 =	sadd.s32 s4, s6;
	[dreg:$0x0] =	wrdreg $0x0  }
0xa9: {  	s6 =	sshll.u32 s28, $0x1;
	[dreg:$0x2] =	wrdreg s4  }
0xaa: {  	[dreg:$0x3] =	wrdreg s6  }
0xab: {  	[dreg:$0x4] =	wrdreg $0xC0  }
0xac: {  	_ =	task [dreg:s8], $0x5FFFF  }
0xad: {  	[dreg:$0x1] =	wrdreg $0xFFFFFFFF  }
0xae: {  	[dreg:$0x0] =	wrdreg $0x60  }
0xaf: {  	[dreg:$0x2] =	wrdreg s2  }
0xb0: {  	[dreg:$0x3] =	wrdreg s24  }
0xb1: {  	[dreg:$0x4] =	wrdreg s18  }
0xb2: {  	[dreg:$0x5] =	wrdreg $0x9  }
0xb3: {  	_ =	task.clear_ibuf [dreg:s8], $0x6FFFF;
	_ =	strace $0x90000046  }
0xb4: {  	s29 =	simm.s32 $0x9;
	_ =	strace $0x80000048  }
0xb5: {  	_ =	swait.ge [sflag:s29], $0x1  }
0xb6: {  	[sflag:s29] =	ssyncadd.s32 $0xFFFFFFFF  }
0xb7: {  	_ =	strace $0x90000048  }
0xb8: {  	_ =	sfence  }
0xb9: {  	s30 =	sld [smem:$0x0];
	_ =	sdelay $0x2  }
0xba: {  	s31 =	sshll.u32 s1, $0xD;
	s1 =	sshrl.u32 s1, $0x2  }
0xbb: {  	s3 =	sand.u32 $0x4000, s31;
	s1 =	sadd.s32 s1, s30  }
0xbc: {  	s0 =	sor.u32 s3, s0;
	s1 =	sshll.u32 s1, $0x11  }
0xbd: {  	s0 =	sor.u32 s1, s0  }
0xbe: {  	s0 =	sadd.s32 $0x8F2B, s0  }
0xbf: {  	[sflag:s0] =	ssyncadd.remote.s32 $0x1  }
0xc0: {  	_ =	sfence.sel $0xFFFF  }
0xc1: {  	[dreg:$0x0] =	wrdreg $0xFFFFFFFF;
	(pc) =	sbr.abs _section_cstart, $3  }
0xc2: {  	[dreg:$0x1] =	wrdreg $0xFFFFFFFF  }
0xc3: {  	_ =	task.clear_ibuf [dreg:s8], $0x2FFFF;
	_ =	strace $0x9FFFFFFF  }
0xc4: {  	(tm) =	ssettm $0x7FFFFFFF  }
0xc5: {  	_ =	shalt  }
tec
execute0_lowered:
.L_overlay_start_1:
0x0: {  	(tag) =	ssettag $0x1  }
0x1: {  	s7 =	rddreg [dreg:$0x0]  }
0x2: {  	s3 =	rddreg [dreg:$0x1]  }
0x3: {  	s6 =	rddreg [dreg:$0x2]  }
0x4: {  	s0 =	stileid.u32;
	s1 =	rddreg [dreg:$0x3];
	s2 =	simm.s32 $0x0  }
0x5: {  	s25 =	srdreg.scid;
	s14 =	simm.s32 $0x1000;
	s15 =	simm.s32 $0x1  }
0x6: {  	s18 =	simm.s32 $0x0;
	s4 =	sshll.u32 s0, $0x8;
	s5 =	sshll.u32 s0, $0x4  }
0x7: {  	[smem:$0x7FF] =	sst s2;
	s10 =	sshll.u32 s0, $0x9;
	s4 =	sor.u32 s5, s4  }
0x8: {  	s29 =	sshll.u32 s0, $0x5;
	s8 =	sand.u32 $0x870, s4;
	s4 =	sand.u32 $0x1, s25  }
0x9: {  	_ =	strace $0x80000047;
	s26 =	sadd.s32 s8, s3;
	s9 =	ssub.s32 $0x2, s4  }
0xa: {  	s16 =	sshll.u32 s4, $0x8;
	s4 =	sshll.u32 s4, $0x4;
	s6 =	sadd.s32 s6, s8  }
0xb: {  	s11 =	sshrl.u32 s9, $0x1;
	s12 =	sor.u32 s16, s10;
	s13 =	sadd.s32 s4, s3  }
0xc: {  	s4 =	sadd.s32 $0x2000, s26;
	s17 =	sor.u32 $0x80, s16;
	s5 =	sadd.s32 $0x1000, s26  }
0xd: {  	v0 =	vmov s16;
	s16 =	simm.s32 $0x2;
	s9 =	ssub.s32 s9, s11;
	s28 =	sshll.u32 s12, $0x6  }
0xe: {  	s10 =	sor.u32 s10, s17;
	s31 =	sadd.s32 s29, s13;
	s11 =	simm.s32 $0x80  }
0xf: {  	s12 =	simm.s32 $0x400;
	s13 =	simm.s32 $0x800;
	v1 =	vmov s17;
	s17 =	simm.s32 $0x11800  }
0x10: {  	s3 =	sadd.s32 s7, s28;
	s30 =	sshll.u32 s10, $0x6;
	s8 =	sadd.s32 $0x3000, s31  }
0x11: {  	s9 =	smax.u32 s9, $0x1;
	s10 =	simm.s32 $0x1800;
	s7 =	sadd.s32 s7, s30  }
.LBB2_1:
0x12: {  	[tilespmem:s10], [sflag:$0x2] =	stream.linear.gather [hbm4b:s3+s2], $0x10000, $0x38;
	[tilespmem:$0x11880] =	vst v63  }
0x13: {  	_ = 	snop  }
0x14: {  	[tilespmem:s2], [sflag:$0x1] =	stream.strided.gather [hbm4b:s4+s11], $0x800, s12, s11, $0x38;
	[tilespmem:$0x11880] =	vst v63  }
0x15: {  	_ = 	snop  }
0x16: {  	[tilespmem:s13], [sflag:$0x1] =	stream.strided.gather [hbm4b:s5+s11], $0x800, s12, s11, $0x38;
	[tilespmem:$0x11880] =	vst v63  }
0x17: {  	_ = 	snop  }
0x18: {  	[tilespmem:s14], [sflag:$0x1] =	stream.strided.gather [hbm4b:s6+s11], $0x800, s12, s11, $0x38;
	[tilespmem:$0x11880] =	vst v63  }
0x19: {  	_ =	swait.ge [sflag:s15], $0x800  }
0x1a: {  	[sflag:s15] =	ssyncset.done $0x0  }
0x1b: {  	[sflag:s15] =	ssyncadd.s32 $0xFFFFF800  }
0x1c: {  	_ =	swait.ge [sflag:s15], $0x800  }
0x1d: {  	[sflag:s15] =	ssyncset.done $0x0  }
0x1e: {  	[sflag:s15] =	ssyncadd.s32 $0xFFFFF800  }
0x1f: {  	_ =	swait.ge [sflag:s15], $0x800  }
0x20: {  	[sflag:s15] =	ssyncset.done $0x0  }
0x21: {  	[sflag:s15] =	ssyncadd.s32 $0xFFFFF800  }
0x22: {  	v3 =	vld [tilespmem:$0x0]  }
0x23: {  	s20 =	simm.s32 $0x10;
	v2 =	vld [tilespmem:$0x800]  }
0x24: {  	v4 =	vld [tilespmem:s20+$0x800]  }
0x25: {  	s19 =	simm.s32 $0x80;
	v5 =	vld [tilespmem:s20+$0x0]  }
.LBB2_2:
0x26: {  	p0 =	sne.s32 s19, $0x1FC0  }
.Ltmp0:
0x27: {  	_ = 	snop;
	(pc) =	sbr.rel @p0 .LBB2_2-.Ltmp0, $4  }
0x28: {  	_ = 	snop  }
0x29: {  	s20 =	sshra.s32 s19, $0x2;
	s19 =	sadd.s32 $0x40, s19;
	v2 =	vmax.f32 v2, v4  }
0x2a: {  	v4 =	vld [tilespmem:s20+$0x800];
	v3 =	vmax.f32 v3, v5  }
0x2b: {  	v5 =	vld [tilespmem:s20+$0x0]  }
0x2c: {  	_ =	sdelay $0x3  }
0x2d: {  	v3 =	vmax.f32 v3, v5  }
0x2e: {  	v2 =	vmax.f32 v2, v4;
	(xrf0) =	vmax.scan.msk.f32 $0xffff, v3  }
0x2f: {  	(xrf0) =	vmax.scan.msk.f32 $0xffff, v2;
	_ =	sdelay $0x4  }
0x30: {  	v2, _, _ =	vpop (xrf0)  }
0x31: {  	v3, _, _ =	vpop (xrf0);
	v2 =	vbroadcast v2, $0xF  }
0x32: {  	v3 =	vbroadcast v3, $0xF  }
0x33: {  	(erf) = vrcp.f32 v2  }
0x34: {  	(erf) = vrcp.f32 v3;
	_ =	sdelay $0x7  }
0x35: {  	v4 =	vpop (erf)  }
0x36: {  	v5 =	vpop (erf)  }
0x37: {  	_ =	swait.ge [sflag:s16], $0x10000  }
0x38: {  	[sflag:s16] =	ssyncset.done $0x0  }
0x39: {  	s22 =	simm.s32 $0x0;
	[sflag:s16] =	ssyncadd.s32 $0xFFFF0000  }
0x3a: {  	v6 =	vld [tilespmem:s22+$0x800]  }
0x3b: {  	v7 =	vld [tilespmem:s22+$0x0]  }
0x3c: {  	v5 =	vmul.f32 $5.120000000e+02, v5  }
0x3d: {  	vm1 =	vgt.f32 v3, $0.0e+00;
	v4 =	vmul.f32 $5.120000000e+02, v4  }
0x3e: {  	vm0 =	vgt.f32 v2, $0.0e+00;
	v3 =	vnsel vm1, $0x3F800000, v5  }
0x3f: {  	s19 =	simm.s32 $0x10;
	v2 =	vnsel vm0, $0x3F800000, v4;
	v4 =	vmul.f32 v6, v3  }
0x40: {  	v5 =	vmul.f32 v7, v2;
	v6 =	vld [tilespmem:s19+$0x800]  }
0x41: {  	v7 =	vld [tilespmem:s19+$0x0];
	v4 =	vtrunc.f32 v4  }
0x42: {  	v5 =	vtrunc.f32 v5;
	v4 =	vcvt.f32.s32 v4  }
0x43: {  	v5 =	vcvt.f32.s32 v5  }
0x44: {  	vm1 =	vgt.s32 v4, $0x0  }
0x45: {  	vm0 =	vgt.s32 v5, $0x0;
	v6 =	vmul.f32 v6, v3;
	v4 =	vnsel vm1, $0x0, v4  }
0x46: {  	v7 =	vmul.f32 v7, v2;
	v5 =	vnsel vm0, $0x0, v5;
	v4 =	vmin.u32 v4, $0x1FF  }
0x47: {  	v5 =	vmin.u32 v5, $0x1FF;
	v6 =	vtrunc.f32 v6;
	v8 =	vsub.s32 v4, v0  }
0x48: {  	v9 =	vshll.u32 v5, $0x3;
	v5 =	vand.u32 $0x7F, v5;
	v4 =	vshll.u32 v4, $0x7  }
0x49: {  	v6 =	vcvt.f32.s32 v6;
	v9 =	vand.u32 $0xC00, v9;
	v10 =	vshll.u32 v8, $0x9  }
0x4a: {  	v4 =	vand.u32 $0x380, v4;
	vm0 =	vlt.u32 v8, $0x80;
	v5 =	vor.u32 v5, v9  }
0x4b: {  	s20 =	simm.s32 $0x20;
	v8 =	vand.u32 $0xFFFFF000, v10;
	v4 =	vor.u32 v4, v5;
	v5 =	vtrunc.f32 v7  }
0x4c: {  	v9 =	vld [tilespmem:s20+$0x800];
	vm2 =	vgt.s32 v6, $0x0;
	v7 =	vor.u32 v8, v4;
	v5 =	vcvt.f32.s32 v5  }
0x4d: {  	v6 =	vnsel vm2, $0x0, v6;
	v8 =	vld [tilespmem:s20+$0x0]  }
0x4e: {  	v6 =	vmin.u32 v6, $0x1FF;
	vm1 =	vgt.s32 v5, $0x0  }
0x4f: {  	v10 =	vsub.s32 v6, v0;
	v5 =	vnsel vm1, $0x0, v5  }
0x50: {  	v12 =	vld [tilespmem:s22+$0x1000];
	v6 =	vshll.u32 v6, $0x7;
	v14 =	vshll.u32 v10, $0x9;
	v5 =	vmin.u32 v5, $0x1FF  }
0x51: {  	s21 =	simm.s32 $0x30;
	v6 =	vand.u32 $0x380, v6;
	v9 =	vmul.f32 v9, v3;
	v7 =	vld.idx.msk [tilespmem:v7+s10+$0x0], vm0;
	v11 =	vshll.u32 v5, $0x3  }
0x52: {  	v13 =	vld [tilespmem:s21+$0x800];
	v8 =	vmul.f32 v8, v2;
	v5 =	vand.u32 $0x7F, v5;
	v11 =	vand.u32 $0xC00, v11  }
0x53: {  	vm1 =	vlt.u32 v10, $0x80;
	v10 =	vand.u32 $0xFFFFF000, v14;
	v5 =	vor.u32 v5, v11  }
0x54: {  	v5 =	vor.u32 v6, v5;
	v6 =	vtrunc.f32 v8;
	v8 =	vtrunc.f32 v9  }
0x55: {  	vm2 =	vmmov vm0;
	v5 =	vor.u32 v10, v5;
	v10 =	vcvt.f32.s32 v8;
	v8 =	vld [tilespmem:s21+$0x0]  }
0x56: {  	v4 =	vimm.f32 $0.0e+00;
	v9 =	vcvt.f32.s32 v6;
	v6 =	vsub.f32 v7, v12  }
0x57: {  	s22 =	simm.s32 $0x100;
	vm2 =	vmmov vm2;
	vm0 =	vmmov vm1;
	v7 =	vmul.f32 v13, v3  }
.LBB2_4:
0x58: {  	p0 =	sne.s32 s22, $0x1FC0;
	vm3 =	vgt.s32 v9, $0x0;
	vm4 =	vgt.s32 v10, $0x0;
	v6 =	vnsel vm2, $0x0, v6  }
0x59: {  	v9 =	vnsel vm3, $0x0, v9;
	v10 =	vnsel vm4, $0x0, v10;
	v6 =	vmul.f32 v6, v6  }
0x5a: {  	v11 =	vmul.f32 v8, v2;
	v8 =	vmin.u32 v9, $0x1FF;
	v9 =	vmin.u32 v10, $0x1FF;
	v12 =	vld.idx.msk [tilespmem:v5+s10+$0x0], vm1  }
0x5b: {  	v5 =	vsub.s32 v9, v0;
	v10 =	vshll.u32 v8, $0x3;
	v13 =	vld [tilespmem:s19+$0x1000];
	v4 =	vadd.f32 v6, v4;
	s19 =	smov.u32 s20;
	s20 =	smov.u32 s21;
	s21 =	sshra.s32 s22, $0x2  }
0x5c: {  	v6 =	vand.u32 $0x7F, v8;
	v9 =	vshll.u32 v9, $0x7;
	v14 =	vld [tilespmem:s21+$0x800];
	v8 =	vand.u32 $0xC00, v10  }
.Ltmp1:
0x5d: {  	v10 =	vshll.u32 v5, $0x9;
	v9 =	vand.u32 $0x380, v9;
	v6 =	vor.u32 v6, v8;
	(pc) =	sbr.rel @p0 .LBB2_4-.Ltmp1, $4  }
0x5e: {  	vm1 =	vlt.u32 v5, $0x80;
	v5 =	vand.u32 $0xFFFFF000, v10;
	v6 =	vor.u32 v9, v6  }
0x5f: {  	v7 =	vtrunc.f32 v7;
	v9 =	vtrunc.f32 v11;
	v8 =	vld [tilespmem:s21+$0x0];
	v5 =	vor.u32 v5, v6  }
0x60: {  	v10 =	vcvt.f32.s32 v7;
	v9 =	vcvt.f32.s32 v9;
	v6 =	vsub.f32 v12, v13  }
0x61: {  	vm2 =	vmmov vm0;
	s22 =	sadd.s32 $0x40, s22;
	vm0 =	vmmov vm1;
	v7 =	vmul.f32 v14, v3  }
0x62: {  	vm3 =	vgt.s32 v9, $0x0;
	vm4 =	vgt.s32 v10, $0x0  }
0x63: {  	v9 =	vnsel vm3, $0x0, v9;
	v10 =	vnsel vm4, $0x0, v10  }
0x64: {  	v7 =	vtrunc.f32 v7;
	v8 =	vmul.f32 v8, v2;
	v10 =	vmin.u32 v10, $0x1FF  }
0x65: {  	v9 =	vmin.u32 v9, $0x1FF;
	v7 =	vcvt.f32.s32 v7;
	v11 =	vsub.s32 v10, v0  }
0x66: {  	v12 =	vshll.u32 v9, $0x3;
	v9 =	vand.u32 $0x7F, v9;
	v8 =	vtrunc.f32 v8  }
0x67: {  	v10 =	vshll.u32 v10, $0x7;
	v12 =	vand.u32 $0xC00, v12;
	v8 =	vcvt.f32.s32 v8  }
0x68: {  	v13 =	vshll.u32 v11, $0x9;
	v10 =	vand.u32 $0x380, v10;
	vm14 =	vgt.s32 v7, $0x0  }
0x69: {  	v9 =	vor.u32 v9, v12;
	v7 =	vnsel vm14, $0x0, v7;
	vm3 =	vgt.s32 v8, $0x0  }
0x6a: {  	v9 =	vor.u32 v10, v9;
	v7 =	vmin.u32 v7, $0x1FF;
	v8 =	vnsel vm3, $0x0, v8  }
0x6b: {  	vm3 =	vlt.u32 v11, $0x80;
	v11 =	vand.u32 $0xFFFFF000, v13;
	v8 =	vmin.u32 v8, $0x1FF  }
0x6c: {  	v10 =	vsub.s32 v7, v0;
	v9 =	vor.u32 v11, v9;
	v11 =	vshll.u32 v8, $0x3  }
0x6d: {  	v7 =	vshll.u32 v7, $0x7;
	v8 =	vand.u32 $0x7F, v8;
	v11 =	vand.u32 $0xC00, v11  }
0x6e: {  	v56 =	vshll.u32 v10, $0x9;
	v7 =	vand.u32 $0x380, v7;
	v8 =	vor.u32 v8, v11  }
0x6f: {  	vm15 =	vlt.u32 v10, $0x80;
	v10 =	vand.u32 $0xFFFFF000, v56;
	v7 =	vor.u32 v7, v8  }
0x70: {  	v5 =	vld.idx.msk [tilespmem:v5+s10+$0x0], vm1;
	v7 =	vor.u32 v10, v7  }
0x71: {  	v11 =	vld [tilespmem:s21+$0x1000]  }
0x72: {  	v8 =	vld [tilespmem:s19+$0x1000]  }
0x73: {  	v9 =	vld.idx.msk [tilespmem:v9+s10+$0x0], vm3  }
0x74: {  	s31 =	simm.s32 $0x0;
	v10 =	vld [tilespmem:s20+$0x1000]  }
0x75: {  	v7 =	vld.idx.msk [tilespmem:v7+s10+$0x0], vm15;
	[tilespmem:s10], [sflag:$0x2] =	stream.linear.gather [hbm4b:s7+s31], $0x10000, $0x38;
	[tilespmem:$0x11880] =	vst v63  }
0x76: {  	_ =	swait.ge [sflag:s16], $0x10000  }
0x77: {  	[sflag:s16] =	ssyncset.done $0x0  }
0x78: {  	s22 =	simm.s32 $0x0;
	[sflag:s16] =	ssyncadd.s32 $0xFFFF0000  }
0x79: {  	v6 =	vnsel vm2, $0x0, v6;
	v57 =	vld [tilespmem:s22+$0x800]  }
0x7a: {  	v6 =	vmul.f32 v6, v6;
	v58 =	vld [tilespmem:s22+$0x0]  }
0x7b: {  	v5 =	vsub.f32 v5, v8  }
0x7c: {  	vm0 =	vmmov vm0;
	v4 =	vadd.f32 v6, v4  }
0x7d: {  	vm1 =	vmmov vm3;
	v6 =	vsub.f32 v9, v10;
	v5 =	vnsel vm0, $0x0, v5  }
0x7e: {  	vm0 =	vmmov vm1;
	v5 =	vmul.f32 v5, v5;
	v8 =	vmul.f32 v57, v3  }
0x7f: {  	s19 =	simm.s32 $0x10;
	vm1 =	vmmov vm15;
	v6 =	vnsel vm0, $0x0, v6;
	v9 =	vmul.f32 v58, v2  }
0x80: {  	v10 =	vld [tilespmem:s19+$0x800];
	v4 =	vadd.f32 v5, v4;
	v5 =	vmul.f32 v6, v6;
	v8 =	vtrunc.f32 v8  }
0x81: {  	v7 =	vsub.f32 v7, v11;
	v11 =	vld [tilespmem:s19+$0x0];
	v9 =	vtrunc.f32 v9;
	v8 =	vcvt.f32.s32 v8  }
0x82: {  	vm0 =	vmmov vm1;
	v9 =	vcvt.f32.s32 v9  }
0x83: {  	v4 =	vadd.f32 v5, v4;
	v6 =	vnsel vm0, $0x0, v7;
	vm1 =	vgt.s32 v8, $0x0  }
0x84: {  	v6 =	vmul.f32 v6, v6;
	vm0 =	vgt.s32 v9, $0x0;
	v8 =	vnsel vm1, $0x0, v8  }
0x85: {  	v7 =	vnsel vm0, $0x0, v9;
	v9 =	vmul.f32 v10, v3;
	v8 =	vmin.u32 v8, $0x1FF  }
0x86: {  	v10 =	vmul.f32 v11, v2;
	v7 =	vmin.u32 v7, $0x1FF;
	v11 =	vsub.s32 v8, v1  }
0x87: {  	v59 =	vshll.u32 v7, $0x3;
	v7 =	vand.u32 $0x7F, v7;
	v8 =	vshll.u32 v8, $0x7  }
0x88: {  	s20 =	simm.s32 $0x20;
	v9 =	vtrunc.f32 v9;
	v12 =	vand.u32 $0xC00, v59;
	v60 =	vshll.u32 v11, $0x9  }
0x89: {  	v61 =	vld [tilespmem:s20+$0x800];
	v8 =	vand.u32 $0x380, v8;
	vm0 =	vlt.u32 v11, $0x80;
	v7 =	vor.u32 v7, v12  }
0x8a: {  	v5 =	vld [tilespmem:s20+$0x0];
	v11 =	vand.u32 $0xFFFFF000, v60;
	v7 =	vor.u32 v8, v7;
	v8 =	vtrunc.f32 v10  }
0x8b: {  	v9 =	vcvt.f32.s32 v9;
	v7 =	vor.u32 v11, v7;
	v8 =	vcvt.f32.s32 v8;
	_ =	sdelay $0x1  }
0x8c: {  	v4 =	vadd.f32 v6, v4;
	vm2 =	vgt.s32 v9, $0x0;
	vm1 =	vgt.s32 v8, $0x0  }
0x8d: {  	v6 =	vmul.f32 v61, v3;
	v9 =	vnsel vm2, $0x0, v9;
	v8 =	vnsel vm1, $0x0, v8  }
0x8e: {  	v62 =	vld [tilespmem:s22+$0x1000];
	v5 =	vmul.f32 v5, v2;
	v9 =	vmin.u32 v9, $0x1FF;
	v8 =	vmin.u32 v8, $0x1FF  }
0x8f: {  	s21 =	simm.s32 $0x30;
	v6 =	vtrunc.f32 v6;
	v10 =	vsub.s32 v9, v1;
	v7 =	vld.idx.msk [tilespmem:v7+s10+$0x0], vm0;
	v11 =	vshll.u32 v8, $0x3  }
0x90: {  	v63 =	vld [tilespmem:s21+$0x800];
	v9 =	vshll.u32 v9, $0x7;
	v8 =	vand.u32 $0x7F, v8;
	v11 =	vand.u32 $0xC00, v11  }
0x91: {  	v14 =	vshll.u32 v10, $0x9;
	v9 =	vand.u32 $0x380, v9;
	v8 =	vor.u32 v8, v11  }
0x92: {  	vm1 =	vlt.u32 v10, $0x80;
	v10 =	vand.u32 $0xFFFFF000, v14;
	v8 =	vor.u32 v9, v8  }
0x93: {  	vm2 =	vmmov vm0;
	v9 =	vtrunc.f32 v5;
	v5 =	vor.u32 v10, v8;
	v8 =	vld [tilespmem:s21+$0x0]  }
0x94: {  	v9 =	vcvt.f32.s32 v9;
	v10 =	vcvt.f32.s32 v6;
	v6 =	vsub.f32 v7, v62  }
0x95: {  	s22 =	simm.s32 $0x100;
	vm2 =	vmmov vm2;
	vm0 =	vmmov vm1;
	v7 =	vmul.f32 v63, v3  }
.LBB2_6:
0x96: {  	p0 =	sne.s32 s22, $0x1FC0;
	vm3 =	vgt.s32 v9, $0x0;
	vm4 =	vgt.s32 v10, $0x0;
	v6 =	vnsel vm2, $0x0, v6  }
0x97: {  	v9 =	vnsel vm3, $0x0, v9;
	v10 =	vnsel vm4, $0x0, v10;
	v6 =	vmul.f32 v6, v6  }
0x98: {  	v11 =	vmul.f32 v8, v2;
	v8 =	vmin.u32 v9, $0x1FF;
	v9 =	vmin.u32 v10, $0x1FF;
	v12 =	vld.idx.msk [tilespmem:v5+s10+$0x0], vm1  }
0x99: {  	v5 =	vsub.s32 v9, v1;
	v10 =	vshll.u32 v8, $0x3;
	v13 =	vld [tilespmem:s19+$0x1000];
	v4 =	vadd.f32 v6, v4;
	s19 =	smov.u32 s20;
	s20 =	smov.u32 s21;
	s21 =	sshra.s32 s22, $0x2  }
0x9a: {  	v6 =	vand.u32 $0x7F, v8;
	v9 =	vshll.u32 v9, $0x7;
	v14 =	vld [tilespmem:s21+$0x800];
	v8 =	vand.u32 $0xC00, v10  }
.Ltmp2:
0x9b: {  	v10 =	vshll.u32 v5, $0x9;
	v9 =	vand.u32 $0x380, v9;
	v6 =	vor.u32 v6, v8;
	(pc) =	sbr.rel @p0 .LBB2_6-.Ltmp2, $4  }
0x9c: {  	vm1 =	vlt.u32 v5, $0x80;
	v5 =	vand.u32 $0xFFFFF000, v10;
	v6 =	vor.u32 v9, v6  }
0x9d: {  	v7 =	vtrunc.f32 v7;
	v9 =	vtrunc.f32 v11;
	v8 =	vld [tilespmem:s21+$0x0];
	v5 =	vor.u32 v5, v6  }
0x9e: {  	v10 =	vcvt.f32.s32 v7;
	v9 =	vcvt.f32.s32 v9;
	v6 =	vsub.f32 v12, v13  }
0x9f: {  	vm2 =	vmmov vm0;
	s22 =	sadd.s32 $0x40, s22;
	vm0 =	vmmov vm1;
	v7 =	vmul.f32 v14, v3  }
0xa0: {  	vm3 =	vgt.s32 v9, $0x0;
	vm4 =	vgt.s32 v10, $0x0  }
0xa1: {  	v3 =	vnsel vm3, $0x0, v9;
	v53 =	vnsel vm4, $0x0, v10  }
0xa2: {  	v7 =	vtrunc.f32 v7;
	v2 =	vmul.f32 v8, v2;
	v54 =	vmin.u32 v53, $0x1FF  }
0xa3: {  	v3 =	vmin.u32 v3, $0x1FF;
	v7 =	vcvt.f32.s32 v7;
	v9 =	vsub.s32 v54, v1  }
0xa4: {  	v55 =	vshll.u32 v3, $0x3;
	v3 =	vand.u32 $0x7F, v3;
	v2 =	vtrunc.f32 v2  }
0xa5: {  	v8 =	vshll.u32 v54, $0x7;
	v10 =	vand.u32 $0xC00, v55;
	v2 =	vcvt.f32.s32 v2  }
0xa6: {  	v11 =	vshll.u32 v9, $0x9;
	v8 =	vand.u32 $0x380, v8;
	vm9 =	vgt.s32 v7, $0x0  }
0xa7: {  	vm10 =	vlt.u32 v9, $0x80;
	v3 =	vor.u32 v3, v10;
	vm8 =	vgt.s32 v2, $0x0  }
0xa8: {  	v56 =	vand.u32 $0xFFFFF000, v11;
	v7 =	vnsel vm9, $0x0, v7;
	v2 =	vnsel vm8, $0x0, v2  }
0xa9: {  	v3 =	vor.u32 v8, v3;
	v7 =	vmin.u32 v7, $0x1FF;
	v2 =	vmin.u32 v2, $0x1FF  }
0xaa: {  	v3 =	vor.u32 v56, v3;
	v57 =	vsub.s32 v7, v1;
	v58 =	vshll.u32 v2, $0x3  }
0xab: {  	v7 =	vshll.u32 v7, $0x7;
	v2 =	vand.u32 $0x7F, v2;
	v9 =	vand.u32 $0xC00, v58  }
0xac: {  	v59 =	vshll.u32 v57, $0x9;
	v7 =	vand.u32 $0x380, v7;
	v2 =	vor.u32 v2, v9  }
0xad: {  	vm11 =	vlt.u32 v57, $0x80;
	v60 =	vand.u32 $0xFFFFF000, v59;
	v2 =	vor.u32 v7, v2  }
0xae: {  	v5 =	vld.idx.msk [tilespmem:v5+s10+$0x0], vm1;
	v2 =	vor.u32 v60, v2  }
0xaf: {  	v61 =	vld [tilespmem:s19+$0x1000]  }
0xb0: {  	v62 =	vld [tilespmem:s20+$0x1000]  }
0xb1: {  	v3 =	vld.idx.msk [tilespmem:v3+s10+$0x0], vm10  }
0xb2: {  	v63 =	vld [tilespmem:s21+$0x1000]  }
0xb3: {  	v2 =	vld.idx.msk [tilespmem:v2+s10+$0x0], vm11  }
0xb4: {  	v6 =	vnsel vm2, $0x0, v6;
	v5 =	vsub.f32 v5, v61  }
0xb5: {  	vm0 =	vmmov vm0;
	v6 =	vmul.f32 v6, v6  }
0xb6: {  	vm12 =	vmmov vm10;
	v5 =	vnsel vm0, $0x0, v5;
	v3 =	vsub.f32 v3, v62  }
0xb7: {  	v4 =	vadd.f32 v6, v4;
	vm13 =	vmmov vm12;
	v5 =	vmul.f32 v5, v5  }
0xb8: {  	vm14 =	vmmov vm11;
	v3 =	vnsel vm13, $0x0, v3;
	v2 =	vsub.f32 v2, v63  }
0xb9: {  	v4 =	vadd.f32 v5, v4;
	vm15 =	vmmov vm14;
	v3 =	vmul.f32 v3, v3  }
0xba: {  	v2 =	vnsel vm15, $0x0, v2  }
0xbb: {  	v3 =	vadd.f32 v3, v4;
	v2 =	vmul.f32 v2, v2;
	_ =	sdelay $0x1  }
0xbc: {  	s18 =	sadd.s32 $0x1, s18;
	v2 =	vadd.f32 v2, v3  }
0xbd: {  	p0 =	sne.s32 s18, s9  }
.Ltmp3:
0xbe: {  	[tilespmem:$0x11800] =	vst v2;
	(pc) =	sbr.rel @p0 .LBB2_1-.Ltmp3, $4  }
0xbf: {  	[hbm4b:s8+s2] =	stream.linear.scatter [tilespmem:s17], [sflag:$0x1], $0x80, $0x38;
	[tilespmem:$0x11880] =	vst v63  }
0xc0: {  	_ =	swait.ge [sflag:s15], $0x80  }
0xc1: {  	[sflag:s15] =	ssyncset.done $0x0  }
0xc2: {  	[sflag:s15] =	ssyncadd.s32 $0xFFFFFF80  }
0xc3: {  	_ =	sfence.sel $0x180000  }
0xc4: {  	[bflag:$0x0] =	sbarrier.arrive $0xFFFF  }
0xc5: {  	p0 =	sne.s32 s0, $0x0;
	_ =	strace $0x90000047  }
0xc6: {  	s0 =	sadd.s32 @!p0 $0x100000, s1;
	[bflag:$0x2] =	sbarrier.arrive $0xFFFF  }
0xc7: {  	[sflag:s0] =	ssyncadd.tile.s32 @!p0 $0x1;
	_ =	shalt  }
.Lfunc_end2:
_tile_overlayer_lowered:
.L_overlay_start_2:
0xc8: {  	(tag) =	ssettag $0x2  }
0xc9: {  	s0 =	rddreg [dreg:$0x0];
	s2 =	stileid.u32  }
0xca: {  	s1 =	rddreg [dreg:$0x1];
	p0 =	sne.s32 s2, $0x0  }
0xcb: {  	s3 =	rddreg [dreg:$0x2];
	[bflag:$0x3] =	sbarrier.arrive $0xFFFF;
	s2 =	simm.s32 @!p0 $0x1C03  }
0xcc: {  	[timem:s3], [sflag:s2] =	dma.local @!p0 [hbm:s0], s1  }
0xcd: {  	s0 =	simm.s32 @!p0 $0x3  }
0xce: {  	_ =	swait.ge @!p0 [sflag:s0], s1  }
0xcf: {  	s1 =	ssub.s32 @!p0 $0x0, s1;
	[sflag:s0] =	ssyncset.done @!p0 $0x0  }
0xd0: {  	[sflag:s0] =	ssyncadd.s32 @!p0 s1  }
0xd1: {  	[bflag:$0x3] =	sbarrier.arrive $0xFFFF  }
0xd2: {  	_ =	shalt  }

</sc_bundles>
